<compile_context>
chip_gen: v7x
topology: tpu7x:2x2x1
jax: 0.10.2.dev20260603
libtpu: 0.0.44.dev20260713+nightly
codegen_flags: <defaults>
</compile_context>

<pallas_src>
import functools

import jax
import jax.numpy as jnp
from jax import lax
from jax.experimental import pallas as pl
from jax.experimental.pallas import tpu as pltpu
from jax.experimental.pallas import tpu_sc as plsc

def _bdot(a, b):
    return jnp.dot(a.astype(jnp.bfloat16), b.astype(jnp.bfloat16),
                   preferred_element_type=jnp.float32)


N = 131072
NB = 16
K = 128
BLK = 2048
R = 1024
C = 128
TOT = NB * K


def _mlp_scores_body(c_ref, t_ref, f_ref, lng, lnb, w1, b1, w2, b2,
                     w0a, w0b, b0, wf, bf, hw1, hb1, hw2r, hb2,
                     s_ref, comb_ref):
    xyzt = jnp.concatenate([c_ref[:], t_ref[:]], axis=1)
    mu = jnp.mean(xyzt, axis=-1, keepdims=True)
    var = jnp.mean((xyzt - mu) ** 2, axis=-1, keepdims=True)
    xn = (xyzt - mu) * lax.rsqrt(var + 1e-5) * lng[:] + lnb[:]
    h = jax.nn.relu(_bdot(xn, w1[:]) + b1[:])
    h = jax.nn.relu(_bdot(h, w2[:]) + b2[:])
    z = jax.nn.relu(_bdot(f_ref[:], w0a[:])
                    + _bdot(h, w0b[:]) + b0[:])
    pf = _bdot(z, wf[:]) + bf[:]
    g = jax.nn.relu(_bdot(pf, hw1[:]) + hb1[:])
    g16 = g.astype(jnp.bfloat16).astype(jnp.float32)
    v16 = hw2r[:].astype(jnp.bfloat16).astype(jnp.float32)
    s_ref[:] = jnp.sum(g16 * v16, axis=1, keepdims=True) + hb2[0, 0]
    comb_ref[:] = jnp.concatenate(
        [f_ref[:], xyzt, jnp.zeros((BLK, 60), jnp.float32)], axis=1)


def _topk_body(s_ref, ids_ref, sel_ref, msk_ref, keyed_ref):
    b = pl.program_id(0)
    inb = ids_ref[:] == b
    cnt = jnp.sum(inb.astype(jnp.int32))
    neginf = jnp.float32(-jnp.inf)
    keyed_ref[:] = jnp.where(inb, s_ref[:], neginf)
    rows = lax.broadcasted_iota(jnp.int32, (R, C), 0)
    cols = lax.broadcasted_iota(jnp.int32, (R, C), 1)
    flat = rows * C + cols
    lane = lax.broadcasted_iota(jnp.int32, (1, K), 1)

    def step(t, selrow):
        kd = keyed_ref[:]
        m = jnp.max(kd)
        idx = jnp.min(jnp.where(kd == m, flat, jnp.int32(N)))
        keyed_ref[:] = jnp.where(flat == idx, neginf, kd)
        return jnp.where(lane == t, idx, selrow)

    selrow = lax.fori_loop(0, K, step, jnp.full((1, K), N - 1, jnp.int32))
    valid = lane < cnt
    sel_ref[0] = jnp.where(valid, jnp.minimum(selrow, N - 1), N - 1)
    msk_ref[0] = valid.astype(jnp.int32)


def _tokens_body(c_ref, m_ref, lng, lnb, w1, b1, w2, b2,
                 w0a, w0b, b0, wf, bf, tok_ref, cen_ref):
    f_sel = c_ref[:, :64]
    xyzt = c_ref[:, 64:68]
    mu = jnp.mean(xyzt, axis=-1, keepdims=True)
    var = jnp.mean((xyzt - mu) ** 2, axis=-1, keepdims=True)
    xn = (xyzt - mu) * lax.rsqrt(var + 1e-5) * lng[:] + lnb[:]
    h = jax.nn.relu(_bdot(xn, w1[:]) + b1[:])
    h = jax.nn.relu(_bdot(h, w2[:]) + b2[:])
    z = jax.nn.relu(_bdot(f_sel, w0a[:])
                    + _bdot(h, w0b[:]) + b0[:])
    pf = _bdot(z, wf[:]) + bf[:]
    mk = m_ref[:]
    tok_ref[:] = pf * mk
    cen_ref[:] = xyzt * mk


def _full(shape):
    return pl.BlockSpec(shape, lambda *_: tuple(0 for _ in shape))


def _scores_call(coords, times, features, ws):
    grid = (N // BLK,)
    row = lambda i: (i, 0)
    in_specs = [
        pl.BlockSpec((BLK, 3), row),
        pl.BlockSpec((BLK, 1), row),
        pl.BlockSpec((BLK, 64), row),
    ] + [_full(w.shape) for w in ws]
    return pl.pallas_call(
        _mlp_scores_body,
        grid=grid,
        in_specs=in_specs,
        out_specs=[pl.BlockSpec((BLK, 1), row), pl.BlockSpec((BLK, 128), row)],
        out_shape=[jax.ShapeDtypeStruct((N, 1), jnp.float32),
                   jax.ShapeDtypeStruct((N, 128), jnp.float32)],
    )(coords, times, features, *ws)


def _topk_call(s2d, ids2d):
    return pl.pallas_call(
        _topk_body,
        grid=(NB,),
        in_specs=[_full((R, C)), _full((R, C))],
        out_specs=[pl.BlockSpec((1, 1, K), lambda b: (b, 0, 0)),
                   pl.BlockSpec((1, 1, K), lambda b: (b, 0, 0))],
        out_shape=[jax.ShapeDtypeStruct((NB, 1, K), jnp.int32),
                   jax.ShapeDtypeStruct((NB, 1, K), jnp.int32)],
        scratch_shapes=[pltpu.VMEM((R, C), jnp.float32)],
    )(s2d, ids2d)


def _sc_gather(comb, idx):
    info = plsc.get_sparse_core_info()
    nw = info.num_cores * info.num_subcores
    bw = TOT // nw
    mesh = plsc.VectorSubcoreMesh(core_axis_name="c", subcore_axis_name="s")

    @functools.partial(
        pl.kernel, mesh=mesh,
        out_type=jax.ShapeDtypeStruct((TOT, 128), jnp.float32),
        scratch_types=[pltpu.VMEM((bw,), jnp.int32),
                       pltpu.VMEM((bw, 128), jnp.float32),
                       pltpu.SemaphoreType.DMA],
    )
    def gather_k(c_hbm, idx_hbm, out_hbm, idx_v, rows_v, sem):
        wid = lax.axis_index("s") * info.num_cores + lax.axis_index("c")
        base = wid * bw
        pltpu.sync_copy(idx_hbm.at[pl.ds(base, bw)], idx_v)
        pltpu.async_copy(c_hbm.at[idx_v], rows_v, sem).wait()
        pltpu.sync_copy(rows_v, out_hbm.at[pl.ds(base, bw)])

    return gather_k(comb, idx)


def _tokens_call(comb_sel, mflat, ws):
    return pl.pallas_call(
        _tokens_body,
        out_shape=[jax.ShapeDtypeStruct((TOT, 128), jnp.float32),
                   jax.ShapeDtypeStruct((TOT, 4), jnp.float32)],
    )(comb_sel, mflat, *ws)


def kernel(coords, features, times, batch_ids, params):
    p = params
    lng = p["ln_g"].reshape(1, 4)
    lnb = p["ln_b"].reshape(1, 4)
    w1 = p["se_W1"]
    b1 = p["se_b1"].reshape(1, 64)
    w2 = p["se_W2"]
    b2 = p["se_b2"].reshape(1, 64)
    w0a = p["mlp_W0"][:64]
    w0b = p["mlp_W0"][64:]
    b0 = p["mlp_b0"].reshape(1, 128)
    wf = p["mlp_Wf"]
    bf = p["mlp_bf"].reshape(1, 128)
    hw1 = p["h_W1"]
    hb1 = p["h_b1"].reshape(1, 64)
    hw2r = p["h_W2"].reshape(1, 64)
    hb2 = p["h_b2"].reshape(1, 1)

    score_ws = [lng, lnb, w1, b1, w2, b2, w0a, w0b, b0, wf, bf, hw1, hb1, hw2r, hb2]
    scores, comb = _scores_call(coords, times, features, score_ws)

    s2d = scores.reshape(R, C)
    ids2d = batch_ids.astype(jnp.int32).reshape(R, C)
    sel, msk = _topk_call(s2d, ids2d)

    comb_sel = _sc_gather(comb, sel.reshape(TOT))

    mflat = msk.reshape(TOT, 1).astype(jnp.float32)
    tok_ws = [lng, lnb, w1, b1, w2, b2, w0a, w0b, b0, wf, bf]
    tok, cen = _tokens_call(comb_sel, mflat, tok_ws)

    return (tok.reshape(NB, K, 128), cen.reshape(NB, K, 4),
            msk.reshape(NB, K).astype(jnp.bool_))

# --- scband reference (transcript-rebuilt; emitter-appended) ---
"""Pipeline reference for scband-learned-importance-tokenizer-5403068858480 (READ-ONLY COPY).

The authoritative reference and input builder live on the scoring server;
editing this copy changes nothing except your own understanding.
"""

import jax, jax.numpy as jnp
import numpy as np

FEATURE_DIM = 64
TOKEN_DIM = 128
MAX_TOKENS = 128
N_POINTS = 131072
N_BATCHES = 16


def _ln(x, g, b):
    mu = jnp.mean(x, axis=-1, keepdims=True)
    var = jnp.mean((x - mu) ** 2, axis=-1, keepdims=True)
    return (x - mu) / jnp.sqrt(var + 1e-5) * g + b


def setup_inputs(seed: int = 0) -> dict:
    key = jax.random.key(seed)
    ks = [jax.random.fold_in(key, i) for i in range(12)]
    coords = jax.random.normal(ks[0], (N_POINTS, 3), jnp.float32)
    features = jax.random.normal(ks[1], (N_POINTS, FEATURE_DIM), jnp.float32)
    times = jax.random.uniform(ks[2], (N_POINTS, 1), jnp.float32)
    batch_ids = jnp.sort(jax.random.randint(ks[3], (N_POINTS,), 0, N_BATCHES))

    def lin(k, fi, fo):
        return jax.random.normal(k, (fi, fo), jnp.float32) / np.sqrt(fi)

    params = {
        "ln_g": jnp.ones(4, jnp.float32), "ln_b": jnp.zeros(4, jnp.float32),
        "se_W1": lin(ks[4], 4, 64), "se_b1": jnp.zeros(64, jnp.float32),
        "se_W2": lin(ks[5], 64, 64), "se_b2": jnp.zeros(64, jnp.float32),
        "mlp_W0": lin(ks[6], FEATURE_DIM + 64, 128), "mlp_b0": jnp.zeros(128, jnp.float32),
        "mlp_Wf": lin(ks[7], 128, TOKEN_DIM), "mlp_bf": jnp.zeros(TOKEN_DIM, jnp.float32),
        "h_W1": lin(ks[8], TOKEN_DIM, 64), "h_b1": jnp.zeros(64, jnp.float32),
        "h_W2": lin(ks[9], 64, 1), "h_b2": jnp.zeros(1, jnp.float32),
        "tau": jnp.asarray(2.0, jnp.float32),
    }
    return {"coords": coords, "features": features, "times": times, "batch_ids": batch_ids, "params": params}


def _forward(coords, features, times, batch_ids, params):
    xyzt = jnp.concatenate([coords, times], axis=-1)
    h = jax.nn.relu(_ln(xyzt, params["ln_g"], params["ln_b"]) @ params["se_W1"] + params["se_b1"])
    h = jax.nn.relu(h @ params["se_W2"] + params["se_b2"])
    z = jax.nn.relu(jnp.concatenate([features, h], axis=1) @ params["mlp_W0"] + params["mlp_b0"])
    point_feats = z @ params["mlp_Wf"] + params["mlp_bf"]
    scores = (jax.nn.relu(point_feats @ params["h_W1"] + params["h_b1"]) @ params["h_W2"] + params["h_b2"])[:, 0]
    logits = scores  # eval mode: no gumbel noise (use_gumbel_topk only applies in training)

    N = coords.shape[0]
    pad_idx = N
    # segmented layout
    B = N_BATCHES
    counts = jnp.bincount(batch_ids, length=B)
    offsets = jnp.concatenate([jnp.zeros((1,), counts.dtype), jnp.cumsum(counts)[:-1]])
    perm = jnp.argsort(batch_ids)
    b_sorted = batch_ids[perm]
    pos_in_b = jnp.arange(N) - offsets[b_sorted]
    max_per_b = N

    idx_table = jnp.full((B, max_per_b), pad_idx, dtype=perm.dtype).at[b_sorted, pos_in_b].set(perm)
    neg_inf = jnp.finfo(logits.dtype).min
    S = jnp.full((B, max_per_b), neg_inf, logits.dtype).at[b_sorted, pos_in_b].set(logits[perm])
    k_eff = min(MAX_TOKENS, max_per_b)
    _, top_pos = jax.lax.top_k(S, k_eff)
    sel_idx = jnp.take_along_axis(idx_table, top_pos, axis=1)
    sel_mask = top_pos < counts[:, None]

    pf_pad = jnp.concatenate([point_feats, jnp.zeros((1, TOKEN_DIM), point_feats.dtype)], axis=0)
    xyzt_pad = jnp.concatenate([xyzt, jnp.zeros((1, 4), xyzt.dtype)], axis=0)
    sel_tokens = pf_pad[sel_idx]
    sel_xyzt = xyzt_pad[sel_idx]
    if k_eff < MAX_TOKENS:
        sel_tokens = jnp.concatenate([sel_tokens, jnp.zeros((B, MAX_TOKENS - k_eff, TOKEN_DIM), sel_tokens.dtype)], axis=1)
        sel_xyzt = jnp.concatenate([sel_xyzt, jnp.zeros((B, MAX_TOKENS - k_eff, 4), sel_xyzt.dtype)], axis=1)
        sel_mask = jnp.concatenate([sel_mask, jnp.zeros((B, MAX_TOKENS - k_eff), bool)], axis=1)

    # per-batch softmax over all points (straight-through gradient path)
    tau = jnp.clip(params["tau"], 1e-6, None)
    Ss = S / tau
    Sexp = jnp.exp(Ss - jnp.max(Ss, axis=1, keepdims=True))
    valid = jnp.arange(max_per_b)[None, :] < counts[:, None]
    Sexp = Sexp * valid.astype(Sexp.dtype)
    Wsm = Sexp / jnp.clip(jnp.sum(Sexp, axis=1, keepdims=True), 1e-12, None)
    w = jnp.zeros((N,), logits.dtype).at[perm].set(Wsm[b_sorted, pos_in_b])
    soft_feat = jax.ops.segment_sum(w[:, None] * point_feats, batch_ids, num_segments=B)
    soft_cent = jax.ops.segment_sum(w[:, None] * xyzt, batch_ids, num_segments=B)

    # straight-through: forward equals hard gather, gradients flow via soft path
    st_f = soft_feat - jax.lax.stop_gradient(soft_feat)
    st_c = soft_cent - jax.lax.stop_gradient(soft_cent)
    m = sel_mask[..., None].astype(point_feats.dtype)
    tokens = sel_tokens + st_f[:, None, :] * m
    cents = sel_xyzt + st_c[:, None, :] * m
    return tokens, cents, sel_mask


def reference(coords, features, times, batch_ids, params):
    return _forward(coords, features, times, batch_ids, params)

if __name__ == "__main__":
    import jax
    _d = setup_inputs()
    print(jax.jit(kernel)(*tuple(_d.values())))

</pallas_src>

<mosaic_0001>
#map = affine_map<(d0, d1) -> (0, 0)>
#map1 = affine_map<(d0, d1) -> (0)>
module attributes {stable_mosaic.version = 14 : i64} {
  func.func @gather_k(%arg0: i32, %arg1: i32, %arg2: memref<131072x128xf32, #tpu.memory_space<hbm>>, %arg3: memref<2048xi32, #tpu.memory_space<hbm>>, %arg4: memref<2048x128xf32, #tpu.memory_space<hbm>>, %arg5: memref<64xi32, #tpu.memory_space<vmem>>, %arg6: memref<64x128xf32, #tpu.memory_space<vmem>>, %arg7: memref<!tpu.dma_semaphore, #tpu.memory_space<semaphore_mem>>) attributes {dimension_semantics = [#tpu.dimension_semantics<core_parallel>, #tpu.dimension_semantics<subcore_parallel>], iteration_bounds = array<i64: 2, 16>, scalar_prefetch = 0 : i64, scratch_operands = 3 : i64, tpu.core_type = #tpu.core_type<sc_vector_subcore>, window_params = [{transform_indices = #map}, {transform_indices = #map1}, {transform_indices = #map}]} {
    %mul3A = arith.constant 2 : i32
    %mul3A_0 = arith.muli %arg1, %mul3A : i32
    %add3A = arith.addi %mul3A_0, %arg0 : i32
    %mul3A_1 = arith.constant 64 : i32
    %mul3A_2 = arith.muli %add3A, %mul3A_1 : i32
    "tpu.region"() ({
      %run_scoped3A = tpu.sem_alloc : memref<!tpu.dma_semaphore, #tpu.memory_space<semaphore_mem>>
      %dma_start3A_7 = tpu.memref_slice %arg3[%mul3A_2] : memref<2048xi32, #tpu.memory_space<hbm>> -> memref<64xi32, #tpu.memory_space<hbm>>
      %dma_start3A_8 = tpu.memref_slice %arg3[%mul3A_2] : memref<2048xi32, #tpu.memory_space<hbm>> -> memref<64xi32, #tpu.memory_space<hbm>>
      tpu.enqueue_dma source(%dma_start3A_8 : memref<64xi32, #tpu.memory_space<hbm>>) target(%arg5 : memref<64xi32, #tpu.memory_space<vmem>>) target_semaphore(%run_scoped3A : memref<!tpu.dma_semaphore, #tpu.memory_space<semaphore_mem>>)
      %dma_wait3A_9 = tpu.memref_slice %arg3[%mul3A_2] : memref<2048xi32, #tpu.memory_space<hbm>> -> memref<64xi32, #tpu.memory_space<hbm>>
      %dma_wait3A_10 = tpu.memref_slice %arg3[%mul3A_2] : memref<2048xi32, #tpu.memory_space<hbm>> -> memref<64xi32, #tpu.memory_space<hbm>>
      tpu.wait_dma2 semaphore(%run_scoped3A : memref<!tpu.dma_semaphore, #tpu.memory_space<semaphore_mem>>) src(%dma_wait3A_10 : memref<64xi32, #tpu.memory_space<hbm>>) dst(%arg5 : memref<64xi32, #tpu.memory_space<vmem>>)
      tpu.yield
    }) : () -> ()
    %dma_start3A = arith.constant 0 : i32
    %dma_start3A_3 = arith.constant 0 : i32
    %dma_start3A_4 = tpu.memref_slice %arg2[%dma_start3A, %dma_start3A_3] : memref<131072x128xf32, #tpu.memory_space<hbm>> -> memref<131072x128xf32, #tpu.memory_space<hbm>>
    tpu.enqueue_indirect_dma source(%dma_start3A_4 : memref<131072x128xf32, #tpu.memory_space<hbm>>) target(%arg6 : memref<64x128xf32, #tpu.memory_space<vmem>>) offsets(%arg5 : memref<64xi32, #tpu.memory_space<vmem>>) semaphore(%arg7 : memref<!tpu.dma_semaphore, #tpu.memory_space<semaphore_mem>>)
    %dma_wait3A = arith.constant 0 : i32
    %dma_wait3A_5 = arith.constant 0 : i32
    %dma_wait3A_6 = tpu.memref_slice %arg2[%dma_wait3A, %dma_wait3A_5] : memref<131072x128xf32, #tpu.memory_space<hbm>> -> memref<131072x128xf32, #tpu.memory_space<hbm>>
    tpu.wait_indirect_dma semaphore(%arg7 : memref<!tpu.dma_semaphore, #tpu.memory_space<semaphore_mem>>) src(%dma_wait3A_6 : memref<131072x128xf32, #tpu.memory_space<hbm>>) dst(%arg6 : memref<64x128xf32, #tpu.memory_space<vmem>>)
    "tpu.region"() ({
      %run_scoped3A = tpu.sem_alloc : memref<!tpu.dma_semaphore, #tpu.memory_space<semaphore_mem>>
      %dma_start3A_7 = arith.constant 0 : i32
      %dma_start3A_8 = tpu.memref_slice %arg4[%mul3A_2, %dma_start3A_7] : memref<2048x128xf32, #tpu.memory_space<hbm>> -> memref<64x128xf32, #tpu.memory_space<hbm>>
      %dma_start3A_9 = arith.constant 0 : i32
      %dma_start3A_10 = tpu.memref_slice %arg4[%mul3A_2, %dma_start3A_9] : memref<2048x128xf32, #tpu.memory_space<hbm>> -> memref<64x128xf32, #tpu.memory_space<hbm>>
      tpu.enqueue_dma source(%arg6 : memref<64x128xf32, #tpu.memory_space<vmem>>) target(%dma_start3A_10 : memref<64x128xf32, #tpu.memory_space<hbm>>) target_semaphore(%run_scoped3A : memref<!tpu.dma_semaphore, #tpu.memory_space<semaphore_mem>>)
      %dma_wait3A_11 = arith.constant 0 : i32
      %dma_wait3A_12 = tpu.memref_slice %arg4[%mul3A_2, %dma_wait3A_11] : memref<2048x128xf32, #tpu.memory_space<hbm>> -> memref<64x128xf32, #tpu.memory_space<hbm>>
      %dma_wait3A_13 = arith.constant 0 : i32
      %dma_wait3A_14 = tpu.memref_slice %arg4[%mul3A_2, %dma_wait3A_13] : memref<2048x128xf32, #tpu.memory_space<hbm>> -> memref<64x128xf32, #tpu.memory_space<hbm>>
      tpu.wait_dma2 semaphore(%run_scoped3A : memref<!tpu.dma_semaphore, #tpu.memory_space<semaphore_mem>>) src(%arg6 : memref<64x128xf32, #tpu.memory_space<vmem>>) dst(%dma_wait3A_14 : memref<64x128xf32, #tpu.memory_space<hbm>>)
      tpu.yield
    }) : () -> ()
    return
  }
}

module attributes {stable_mosaic.version = 14 : i64} {
  func.func @_mlp_scores_body(%arg0: i32, %arg1: memref<2048x3xf32, #tpu.memory_space<vmem>>, %arg2: memref<2048x1xf32, #tpu.memory_space<vmem>>, %arg3: memref<2048x64xf32, #tpu.memory_space<vmem>>, %arg4: memref<1x4xf32, #tpu.memory_space<vmem>>, %arg5: memref<1x4xf32, #tpu.memory_space<vmem>>, %arg6: memref<4x64xf32, #tpu.memory_space<vmem>>, %arg7: memref<1x64xf32, #tpu.memory_space<vmem>>, %arg8: memref<64x64xf32, #tpu.memory_space<vmem>>, %arg9: memref<1x64xf32, #tpu.memory_space<vmem>>, %arg10: memref<64x128xf32, #tpu.memory_space<vmem>>, %arg11: memref<64x128xf32, #tpu.memory_space<vmem>>, %arg12: memref<1x128xf32, #tpu.memory_space<vmem>>, %arg13: memref<128x128xf32, #tpu.memory_space<vmem>>, %arg14: memref<1x128xf32, #tpu.memory_space<vmem>>, %arg15: memref<128x64xf32, #tpu.memory_space<vmem>>, %arg16: memref<1x64xf32, #tpu.memory_space<vmem>>, %arg17: memref<1x64xf32, #tpu.memory_space<vmem>>, %arg18: memref<1x1xf32, #tpu.memory_space<vmem>>, %arg19: memref<2048x1xf32, #tpu.memory_space<vmem>>, %arg20: memref<2048x128xf32, #tpu.memory_space<vmem>>) attributes {dimension_semantics = [#tpu.dimension_semantics<arbitrary>], iteration_bounds = array<i64: 64>, scalar_prefetch = 0 : i64, scratch_operands = 0 : i64, tpu.core_type = #tpu.core_type<tc>, window_params = [{transform_indices = @transform_0, window_bounds = array<i64: 2048, 3>}, {transform_indices = @transform_1, window_bounds = array<i64: 2048, 1>}, {transform_indices = @transform_2, window_bounds = array<i64: 2048, 64>}, {pipeline_mode = #tpu.pipeline_mode<synchronous>, transform_indices = @transform_3, window_bounds = array<i64: 1, 4>}, {pipeline_mode = #tpu.pipeline_mode<synchronous>, transform_indices = @transform_4, window_bounds = array<i64: 1, 4>}, {pipeline_mode = #tpu.pipeline_mode<synchronous>, transform_indices = @transform_5, window_bounds = array<i64: 4, 64>}, {pipeline_mode = #tpu.pipeline_mode<synchronous>, transform_indices = @transform_6, window_bounds = array<i64: 1, 64>}, {pipeline_mode = #tpu.pipeline_mode<synchronous>, transform_indices = @transform_7, window_bounds = array<i64: 64, 64>}, {pipeline_mode = #tpu.pipeline_mode<synchronous>, transform_indices = @transform_8, window_bounds = array<i64: 1, 64>}, {pipeline_mode = #tpu.pipeline_mode<synchronous>, transform_indices = @transform_9, window_bounds = array<i64: 64, 128>}, {pipeline_mode = #tpu.pipeline_mode<synchronous>, transform_indices = @transform_10, window_bounds = array<i64: 64, 128>}, {pipeline_mode = #tpu.pipeline_mode<synchronous>, transform_indices = @transform_11, window_bounds = array<i64: 1, 128>}, {pipeline_mode = #tpu.pipeline_mode<synchronous>, transform_indices = @transform_12, window_bounds = array<i64: 128, 128>}, {pipeline_mode = #tpu.pipeline_mode<synchronous>, transform_indices = @transform_13, window_bounds = array<i64: 1, 128>}, {pipeline_mode = #tpu.pipeline_mode<synchronous>, transform_indices = @transform_14, window_bounds = array<i64: 128, 64>}, {pipeline_mode = #tpu.pipeline_mode<synchronous>, transform_indices = @transform_15, window_bounds = array<i64: 1, 64>}, {pipeline_mode = #tpu.pipeline_mode<synchronous>, transform_indices = @transform_16, window_bounds = array<i64: 1, 64>}, {pipeline_mode = #tpu.pipeline_mode<synchronous>, transform_indices = @transform_17, window_bounds = array<i64: 1, 1>}, {transform_indices = @transform_18, window_bounds = array<i64: 2048, 1>}, {transform_indices = @transform_19, window_bounds = array<i64: 2048, 128>}]} {
    %get3A = arith.constant 0 : index
    %get3A_0 = arith.constant 0 : index
    %get3A_1 = vector.load %arg1[%get3A, %get3A_0] : memref<2048x3xf32, #tpu.memory_space<vmem>>, vector<2048x3xf32>
    %get3A_2 = arith.constant 0 : index
    %get3A_3 = arith.constant 0 : index
    %get3A_4 = vector.load %arg2[%get3A_2, %get3A_3] : memref<2048x1xf32, #tpu.memory_space<vmem>>, vector<2048x1xf32>
    %concatenate3A = tpu.concatenate %get3A_1, %get3A_4 in 1 : vector<2048x3xf32>, vector<2048x1xf32> -> vector<2048x4xf32>
    %reduce_sum3A = arith.constant dense<0.000000e+00> : vector<2048xf32>
    %reduce_sum3A_5 = vector.multi_reduction <add>, %concatenate3A, %reduce_sum3A [1] : vector<2048x4xf32> to vector<2048xf32>
    %broadcast_in_dim3A = vector.shape_cast %reduce_sum3A_5 : vector<2048xf32> to vector<2048x1xf32>
    %div3A = arith.constant 4.000000e+00 : f32
    %div3A_6 = vector.broadcast %div3A : f32 to vector<2048x1xf32>
    %div3A_7 = arith.divf %broadcast_in_dim3A, %div3A_6 : vector<2048x1xf32>
    %sub3A = vector.broadcast %div3A_7 : vector<2048x1xf32> to vector<2048x4xf32>
    %sub3A_8 = arith.subf %concatenate3A, %sub3A : vector<2048x4xf32>
    %integer_pow3A = arith.mulf %sub3A_8, %sub3A_8 : vector<2048x4xf32>
    %reduce_sum3A_9 = arith.constant dense<0.000000e+00> : vector<2048xf32>
    %reduce_sum3A_10 = vector.multi_reduction <add>, %integer_pow3A, %reduce_sum3A_9 [1] : vector<2048x4xf32> to vector<2048xf32>
    %broadcast_in_dim3A_11 = vector.shape_cast %reduce_sum3A_10 : vector<2048xf32> to vector<2048x1xf32>
    %div3A_12 = arith.constant 4.000000e+00 : f32
    %div3A_13 = vector.broadcast %div3A_12 : f32 to vector<2048x1xf32>
    %div3A_14 = arith.divf %broadcast_in_dim3A_11, %div3A_13 : vector<2048x1xf32>
    %sub3A_15 = vector.broadcast %div3A_7 : vector<2048x1xf32> to vector<2048x4xf32>
    %sub3A_16 = arith.subf %concatenate3A, %sub3A_15 : vector<2048x4xf32>
    %add3A = arith.constant 9.99999974E-6 : f32
    %add3A_17 = vector.broadcast %add3A : f32 to vector<2048x1xf32>
    %add3A_18 = arith.addf %div3A_14, %add3A_17 : vector<2048x1xf32>
    %rsqrt3A = math.rsqrt %add3A_18 : vector<2048x1xf32>
    %mul3A = vector.broadcast %rsqrt3A : vector<2048x1xf32> to vector<2048x4xf32>
    %mul3A_19 = arith.mulf %sub3A_16, %mul3A : vector<2048x4xf32>
    %get3A_20 = arith.constant 0 : index
    %get3A_21 = arith.constant 0 : index
    %get3A_22 = vector.load %arg4[%get3A_20, %get3A_21] : memref<1x4xf32, #tpu.memory_space<vmem>>, vector<1x4xf32>
    %mul3A_23 = vector.broadcast %get3A_22 : vector<1x4xf32> to vector<2048x4xf32>
    %mul3A_24 = arith.mulf %mul3A_19, %mul3A_23 : vector<2048x4xf32>
    %get3A_25 = arith.constant 0 : index
    %get3A_26 = arith.constant 0 : index
    %get3A_27 = vector.load %arg5[%get3A_25, %get3A_26] : memref<1x4xf32, #tpu.memory_space<vmem>>, vector<1x4xf32>
    %add3A_28 = vector.broadcast %get3A_27 : vector<1x4xf32> to vector<2048x4xf32>
    %add3A_29 = arith.addf %mul3A_24, %add3A_28 : vector<2048x4xf32>
    %get3A_30 = arith.constant 0 : index
    %get3A_31 = arith.constant 0 : index
    %get3A_32 = vector.load %arg6[%get3A_30, %get3A_31] : memref<4x64xf32, #tpu.memory_space<vmem>>, vector<4x64xf32>
    %convert_element_type3A = arith.truncf %add3A_29 : vector<2048x4xf32> to vector<2048x4xbf16>
    %convert_element_type3A_33 = arith.truncf %get3A_32 : vector<4x64xf32> to vector<4x64xbf16>
    %dot_general3A = arith.constant dense<0.000000e+00> : vector<2048x64xf32>
    %dot_general3A_34 = tpu.matmul %convert_element_type3A, %convert_element_type3A_33, %dot_general3A {dimension_numbers = #tpu.dot_dimension_numbers<[1], [0], [0], [1], [0, 0, 1, 1], [], []>, transpose_lhs_hint = false} : vector<2048x4xbf16>, vector<4x64xbf16>, vector<2048x64xf32> -> vector<2048x64xf32>
    %get3A_35 = arith.constant 0 : index
    %get3A_36 = arith.constant 0 : index
    %get3A_37 = vector.load %arg7[%get3A_35, %get3A_36] : memref<1x64xf32, #tpu.memory_space<vmem>>, vector<1x64xf32>
    %add3A_38 = vector.broadcast %get3A_37 : vector<1x64xf32> to vector<2048x64xf32>
    %add3A_39 = arith.addf %dot_general3A_34, %add3A_38 : vector<2048x64xf32>
    %max3A = arith.constant 0.000000e+00 : f32
    %max3A_40 = vector.broadcast %max3A : f32 to vector<2048x64xf32>
    %max3A_41 = arith.maximumf %add3A_39, %max3A_40 : vector<2048x64xf32>
    %get3A_42 = arith.constant 0 : index
    %get3A_43 = arith.constant 0 : index
    %get3A_44 = vector.load %arg8[%get3A_42, %get3A_43] : memref<64x64xf32, #tpu.memory_space<vmem>>, vector<64x64xf32>
    %convert_element_type3A_45 = arith.truncf %max3A_41 : vector<2048x64xf32> to vector<2048x64xbf16>
    %convert_element_type3A_46 = arith.truncf %get3A_44 : vector<64x64xf32> to vector<64x64xbf16>
    %dot_general3A_47 = arith.constant dense<0.000000e+00> : vector<2048x64xf32>
    %dot_general3A_48 = tpu.matmul %convert_element_type3A_45, %convert_element_type3A_46, %dot_general3A_47 {dimension_numbers = #tpu.dot_dimension_numbers<[1], [0], [0], [1], [0, 0, 1, 1], [], []>, transpose_lhs_hint = false} : vector<2048x64xbf16>, vector<64x64xbf16>, vector<2048x64xf32> -> vector<2048x64xf32>
    %get3A_49 = arith.constant 0 : index
    %get3A_50 = arith.constant 0 : index
    %get3A_51 = vector.load %arg9[%get3A_49, %get3A_50] : memref<1x64xf32, #tpu.memory_space<vmem>>, vector<1x64xf32>
    %add3A_52 = vector.broadcast %get3A_51 : vector<1x64xf32> to vector<2048x64xf32>
    %add3A_53 = arith.addf %dot_general3A_48, %add3A_52 : vector<2048x64xf32>
    %max3A_54 = arith.constant 0.000000e+00 : f32
    %max3A_55 = vector.broadcast %max3A_54 : f32 to vector<2048x64xf32>
    %max3A_56 = arith.maximumf %add3A_53, %max3A_55 : vector<2048x64xf32>
    %get3A_57 = arith.constant 0 : index
    %get3A_58 = arith.constant 0 : index
    %get3A_59 = vector.load %arg3[%get3A_57, %get3A_58] : memref<2048x64xf32, #tpu.memory_space<vmem>>, vector<2048x64xf32>
    %get3A_60 = arith.constant 0 : index
    %get3A_61 = arith.constant 0 : index
    %get3A_62 = vector.load %arg10[%get3A_60, %get3A_61] : memref<64x128xf32, #tpu.memory_space<vmem>>, vector<64x128xf32>
    %convert_element_type3A_63 = arith.truncf %get3A_59 : vector<2048x64xf32> to vector<2048x64xbf16>
    %convert_element_type3A_64 = arith.truncf %get3A_62 : vector<64x128xf32> to vector<64x128xbf16>
    %dot_general3A_65 = arith.constant dense<0.000000e+00> : vector<2048x128xf32>
    %dot_general3A_66 = tpu.matmul %convert_element_type3A_63, %convert_element_type3A_64, %dot_general3A_65 {dimension_numbers = #tpu.dot_dimension_numbers<[1], [0], [0], [1], [0, 0, 1, 1], [], []>, transpose_lhs_hint = false} : vector<2048x64xbf16>, vector<64x128xbf16>, vector<2048x128xf32> -> vector<2048x128xf32>
    %get3A_67 = arith.constant 0 : index
    %get3A_68 = arith.constant 0 : index
    %get3A_69 = vector.load %arg11[%get3A_67, %get3A_68] : memref<64x128xf32, #tpu.memory_space<vmem>>, vector<64x128xf32>
    %convert_element_type3A_70 = arith.truncf %max3A_56 : vector<2048x64xf32> to vector<2048x64xbf16>
    %convert_element_type3A_71 = arith.truncf %get3A_69 : vector<64x128xf32> to vector<64x128xbf16>
    %dot_general3A_72 = arith.constant dense<0.000000e+00> : vector<2048x128xf32>
    %dot_general3A_73 = tpu.matmul %convert_element_type3A_70, %convert_element_type3A_71, %dot_general3A_72 {dimension_numbers = #tpu.dot_dimension_numbers<[1], [0], [0], [1], [0, 0, 1, 1], [], []>, transpose_lhs_hint = false} : vector<2048x64xbf16>, vector<64x128xbf16>, vector<2048x128xf32> -> vector<2048x128xf32>
    %add3A_74 = arith.addf %dot_general3A_66, %dot_general3A_73 : vector<2048x128xf32>
    %get3A_75 = arith.constant 0 : index
    %get3A_76 = arith.constant 0 : index
    %get3A_77 = vector.load %arg12[%get3A_75, %get3A_76] : memref<1x128xf32, #tpu.memory_space<vmem>>, vector<1x128xf32>
    %add3A_78 = vector.broadcast %get3A_77 : vector<1x128xf32> to vector<2048x128xf32>
    %add3A_79 = arith.addf %add3A_74, %add3A_78 : vector<2048x128xf32>
    %max3A_80 = arith.constant 0.000000e+00 : f32
    %max3A_81 = vector.broadcast %max3A_80 : f32 to vector<2048x128xf32>
    %max3A_82 = arith.maximumf %add3A_79, %max3A_81 : vector<2048x128xf32>
    %get3A_83 = arith.constant 0 : index
    %get3A_84 = arith.constant 0 : index
    %get3A_85 = vector.load %arg13[%get3A_83, %get3A_84] : memref<128x128xf32, #tpu.memory_space<vmem>>, vector<128x128xf32>
    %convert_element_type3A_86 = arith.truncf %max3A_82 : vector<2048x128xf32> to vector<2048x128xbf16>
    %convert_element_type3A_87 = arith.truncf %get3A_85 : vector<128x128xf32> to vector<128x128xbf16>
    %dot_general3A_88 = arith.constant dense<0.000000e+00> : vector<2048x128xf32>
    %dot_general3A_89 = tpu.matmul %convert_element_type3A_86, %convert_element_type3A_87, %dot_general3A_88 {dimension_numbers = #tpu.dot_dimension_numbers<[1], [0], [0], [1], [0, 0, 1, 1], [], []>, transpose_lhs_hint = false} : vector<2048x128xbf16>, vector<128x128xbf16>, vector<2048x128xf32> -> vector<2048x128xf32>
    %get3A_90 = arith.constant 0 : index
    %get3A_91 = arith.constant 0 : index
    %get3A_92 = vector.load %arg14[%get3A_90, %get3A_91] : memref<1x128xf32, #tpu.memory_space<vmem>>, vector<1x128xf32>
    %add3A_93 = vector.broadcast %get3A_92 : vector<1x128xf32> to vector<2048x128xf32>
    %add3A_94 = arith.addf %dot_general3A_89, %add3A_93 : vector<2048x128xf32>
    %get3A_95 = arith.constant 0 : index
    %get3A_96 = arith.constant 0 : index
    %get3A_97 = vector.load %arg15[%get3A_95, %get3A_96] : memref<128x64xf32, #tpu.memory_space<vmem>>, vector<128x64xf32>
    %convert_element_type3A_98 = arith.truncf %add3A_94 : vector<2048x128xf32> to vector<2048x128xbf16>
    %convert_element_type3A_99 = arith.truncf %get3A_97 : vector<128x64xf32> to vector<128x64xbf16>
    %dot_general3A_100 = arith.constant dense<0.000000e+00> : vector<2048x64xf32>
    %dot_general3A_101 = tpu.matmul %convert_element_type3A_98, %convert_element_type3A_99, %dot_general3A_100 {dimension_numbers = #tpu.dot_dimension_numbers<[1], [0], [0], [1], [0, 0, 1, 1], [], []>, transpose_lhs_hint = false} : vector<2048x128xbf16>, vector<128x64xbf16>, vector<2048x64xf32> -> vector<2048x64xf32>
    %get3A_102 = arith.constant 0 : index
    %get3A_103 = arith.constant 0 : index
    %get3A_104 = vector.load %arg16[%get3A_102, %get3A_103] : memref<1x64xf32, #tpu.memory_space<vmem>>, vector<1x64xf32>
    %add3A_105 = vector.broadcast %get3A_104 : vector<1x64xf32> to vector<2048x64xf32>
    %add3A_106 = arith.addf %dot_general3A_101, %add3A_105 : vector<2048x64xf32>
    %max3A_107 = arith.constant 0.000000e+00 : f32
    %max3A_108 = vector.broadcast %max3A_107 : f32 to vector<2048x64xf32>
    %max3A_109 = arith.maximumf %add3A_106, %max3A_108 : vector<2048x64xf32>
    %convert_element_type3A_110 = arith.truncf %max3A_109 : vector<2048x64xf32> to vector<2048x64xbf16>
    %convert_element_type3A_111 = arith.extf %convert_element_type3A_110 : vector<2048x64xbf16> to vector<2048x64xf32>
    %get3A_112 = arith.constant 0 : index
    %get3A_113 = arith.constant 0 : index
    %get3A_114 = vector.load %arg17[%get3A_112, %get3A_113] : memref<1x64xf32, #tpu.memory_space<vmem>>, vector<1x64xf32>
    %convert_element_type3A_115 = arith.truncf %get3A_114 : vector<1x64xf32> to vector<1x64xbf16>
    %convert_element_type3A_116 = arith.extf %convert_element_type3A_115 : vector<1x64xbf16> to vector<1x64xf32>
    %mul3A_117 = vector.broadcast %convert_element_type3A_116 : vector<1x64xf32> to vector<2048x64xf32>
    %mul3A_118 = arith.mulf %convert_element_type3A_111, %mul3A_117 : vector<2048x64xf32>
    %reduce_sum3A_119 = arith.constant dense<0.000000e+00> : vector<2048xf32>
    %reduce_sum3A_120 = vector.multi_reduction <add>, %mul3A_118, %reduce_sum3A_119 [1] : vector<2048x64xf32> to vector<2048xf32>
    %broadcast_in_dim3A_121 = vector.shape_cast %reduce_sum3A_120 : vector<2048xf32> to vector<2048x1xf32>
    %get3A_122 = arith.constant 0 : index
    %get3A_123 = arith.constant 0 : index
    %get3A_124 = vector.load %arg18[%get3A_122, %get3A_123] : memref<1x1xf32, #tpu.memory_space<vmem>>, vector<1x1xf32>
    %get3A_125 = vector.extract %get3A_124[0, 0] : f32 from vector<1x1xf32>
    %add3A_126 = vector.broadcast %get3A_125 : f32 to vector<2048x1xf32>
    %add3A_127 = arith.addf %broadcast_in_dim3A_121, %add3A_126 : vector<2048x1xf32>
    %swap3A = arith.constant 0 : index
    %swap3A_128 = arith.constant 0 : index
    %swap3A_129 = vector.load %arg19[%swap3A, %swap3A_128] : memref<2048x1xf32, #tpu.memory_space<vmem>>, vector<2048x1xf32>
    tpu.vector_store %arg19[%swap3A, %swap3A_128], %add3A_127 {strides = array<i32>} : memref<2048x1xf32, #tpu.memory_space<vmem>>, vector<2048x1xf32>,
    %get3A_130 = arith.constant 0 : index
    %get3A_131 = arith.constant 0 : index
    %get3A_132 = vector.load %arg3[%get3A_130, %get3A_131] : memref<2048x64xf32, #tpu.memory_space<vmem>>, vector<2048x64xf32>
    %broadcast_in_dim3A_133 = arith.constant 0.000000e+00 : f32
    %broadcast_in_dim3A_134 = vector.broadcast %broadcast_in_dim3A_133 : f32 to vector<2048x60xf32>
    %concatenate3A_135 = tpu.concatenate %get3A_132, %concatenate3A, %broadcast_in_dim3A_134 in 1 : vector<2048x64xf32>, vector<2048x4xf32>, vector<2048x60xf32> -> vector<2048x128xf32>
    %swap3A_136 = arith.constant 0 : index
    %swap3A_137 = arith.constant 0 : index
    %swap3A_138 = vector.load %arg20[%swap3A_136, %swap3A_137] : memref<2048x128xf32, #tpu.memory_space<vmem>>, vector<2048x128xf32>
    tpu.vector_store %arg20[%swap3A_136, %swap3A_137], %concatenate3A_135 {strides = array<i32>} : memref<2048x128xf32, #tpu.memory_space<vmem>>, vector<2048x128xf32>,
    return
  }
  func.func @transform_0(%arg0: i32) -> (i32, i32) {
    %c0_i32 = arith.constant 0 : i32
    %c0_i32_0 = arith.constant 0 : i32
    return %arg0, %c0_i32 : i32, i32
  }
  func.func @transform_1(%arg0: i32) -> (i32, i32) {
    %c0_i32 = arith.constant 0 : i32
    %c0_i32_0 = arith.constant 0 : i32
    return %arg0, %c0_i32 : i32, i32
  }
  func.func @transform_2(%arg0: i32) -> (i32, i32) {
    %c0_i32 = arith.constant 0 : i32
    %c0_i32_0 = arith.constant 0 : i32
    return %arg0, %c0_i32 : i32, i32
  }
  func.func @transform_3(%arg0: i32) -> (i32, i32) {
    %c0_i32 = arith.constant 0 : i32
    %c0_i32_0 = arith.constant 0 : i32
    %c0_i32_1 = arith.constant 0 : i32
    return %c0_i32, %c0_i32_0 : i32, i32
  }
  func.func @transform_4(%arg0: i32) -> (i32, i32) {
    %c0_i32 = arith.constant 0 : i32
    %c0_i32_0 = arith.constant 0 : i32
    %c0_i32_1 = arith.constant 0 : i32
    return %c0_i32, %c0_i32_0 : i32, i32
  }
  func.func @transform_5(%arg0: i32) -> (i32, i32) {
    %c0_i32 = arith.constant 0 : i32
    %c0_i32_0 = arith.constant 0 : i32
    %c0_i32_1 = arith.constant 0 : i32
    return %c0_i32, %c0_i32_0 : i32, i32
  }
  func.func @transform_6(%arg0: i32) -> (i32, i32) {
    %c0_i32 = arith.constant 0 : i32
    %c0_i32_0 = arith.constant 0 : i32
    %c0_i32_1 = arith.constant 0 : i32
    return %c0_i32, %c0_i32_0 : i32, i32
  }
  func.func @transform_7(%arg0: i32) -> (i32, i32) {
    %c0_i32 = arith.constant 0 : i32
    %c0_i32_0 = arith.constant 0 : i32
    %c0_i32_1 = arith.constant 0 : i32
    return %c0_i32, %c0_i32_0 : i32, i32
  }
  func.func @transform_8(%arg0: i32) -> (i32, i32) {
    %c0_i32 = arith.constant 0 : i32
    %c0_i32_0 = arith.constant 0 : i32
    %c0_i32_1 = arith.constant 0 : i32
    return %c0_i32, %c0_i32_0 : i32, i32
  }
  func.func @transform_9(%arg0: i32) -> (i32, i32) {
    %c0_i32 = arith.constant 0 : i32
    %c0_i32_0 = arith.constant 0 : i32
    %c0_i32_1 = arith.constant 0 : i32
    return %c0_i32, %c0_i32_0 : i32, i32
  }
  func.func @transform_10(%arg0: i32) -> (i32, i32) {
    %c0_i32 = arith.constant 0 : i32
    %c0_i32_0 = arith.constant 0 : i32
    %c0_i32_1 = arith.constant 0 : i32
    return %c0_i32, %c0_i32_0 : i32, i32
  }
  func.func @transform_11(%arg0: i32) -> (i32, i32) {
    %c0_i32 = arith.constant 0 : i32
    %c0_i32_0 = arith.constant 0 : i32
    %c0_i32_1 = arith.constant 0 : i32
    return %c0_i32, %c0_i32_0 : i32, i32
  }
  func.func @transform_12(%arg0: i32) -> (i32, i32) {
    %c0_i32 = arith.constant 0 : i32
    %c0_i32_0 = arith.constant 0 : i32
    %c0_i32_1 = arith.constant 0 : i32
    return %c0_i32, %c0_i32_0 : i32, i32
  }
  func.func @transform_13(%arg0: i32) -> (i32, i32) {
    %c0_i32 = arith.constant 0 : i32
    %c0_i32_0 = arith.constant 0 : i32
    %c0_i32_1 = arith.constant 0 : i32
    return %c0_i32, %c0_i32_0 : i32, i32
  }
  func.func @transform_14(%arg0: i32) -> (i32, i32) {
    %c0_i32 = arith.constant 0 : i32
    %c0_i32_0 = arith.constant 0 : i32
    %c0_i32_1 = arith.constant 0 : i32
    return %c0_i32, %c0_i32_0 : i32, i32
  }
  func.func @transform_15(%arg0: i32) -> (i32, i32) {
    %c0_i32 = arith.constant 0 : i32
    %c0_i32_0 = arith.constant 0 : i32
    %c0_i32_1 = arith.constant 0 : i32
    return %c0_i32, %c0_i32_0 : i32, i32
  }
  func.func @transform_16(%arg0: i32) -> (i32, i32) {
    %c0_i32 = arith.constant 0 : i32
    %c0_i32_0 = arith.constant 0 : i32
    %c0_i32_1 = arith.constant 0 : i32
    return %c0_i32, %c0_i32_0 : i32, i32
  }
  func.func @transform_17(%arg0: i32) -> (i32, i32) {
    %c0_i32 = arith.constant 0 : i32
    %c0_i32_0 = arith.constant 0 : i32
    %c0_i32_1 = arith.constant 0 : i32
    return %c0_i32, %c0_i32_0 : i32, i32
  }
  func.func @transform_18(%arg0: i32) -> (i32, i32) {
    %c0_i32 = arith.constant 0 : i32
    %c0_i32_0 = arith.constant 0 : i32
    return %arg0, %c0_i32 : i32, i32
  }
  func.func @transform_19(%arg0: i32) -> (i32, i32) {
    %c0_i32 = arith.constant 0 : i32
    %c0_i32_0 = arith.constant 0 : i32
    return %arg0, %c0_i32 : i32, i32
  }
}

module attributes {stable_mosaic.version = 14 : i64} {
  func.func @_topk_body(%arg0: i32, %arg1: memref<1024x128xf32, #tpu.memory_space<vmem>>, %arg2: memref<1024x128xi32, #tpu.memory_space<vmem>>, %arg3: memref<1x1x128xi32, #tpu.memory_space<vmem>>, %arg4: memref<1x1x128xi32, #tpu.memory_space<vmem>>, %arg5: memref<1024x128xf32, #tpu.memory_space<vmem>>) attributes {dimension_semantics = [#tpu.dimension_semantics<arbitrary>], iteration_bounds = array<i64: 16>, scalar_prefetch = 0 : i64, scratch_operands = 1 : i64, tpu.core_type = #tpu.core_type<tc>, window_params = [{pipeline_mode = #tpu.pipeline_mode<synchronous>, transform_indices = @transform_0, window_bounds = array<i64: 1024, 128>}, {pipeline_mode = #tpu.pipeline_mode<synchronous>, transform_indices = @transform_1, window_bounds = array<i64: 1024, 128>}, {transform_indices = @transform_2, window_bounds = array<i64: 1, 1, 128>}, {transform_indices = @transform_3, window_bounds = array<i64: 1, 1, 128>}]} {
    %get3A = arith.constant 0 : index
    %get3A_0 = arith.constant 0 : index
    %get3A_1 = vector.load %arg2[%get3A, %get3A_0] : memref<1024x128xi32, #tpu.memory_space<vmem>>, vector<1024x128xi32>
    %eq3A = vector.broadcast %arg0 : i32 to vector<1024x128xi32>
    %eq3A_2 = arith.cmpi eq, %get3A_1, %eq3A : vector<1024x128xi32>
    %convert_element_type3A = arith.extui %eq3A_2 : vector<1024x128xi1> to vector<1024x128xi32>
    %reduce_sum3A = vector.shape_cast %convert_element_type3A : vector<1024x128xi32> to vector<1x1024x128xi32>
    %reduce_sum3A_3 = arith.constant dense<0> : vector<1xi32>
    %reduce_sum3A_4 = vector.multi_reduction <add>, %reduce_sum3A, %reduce_sum3A_3 [1, 2] : vector<1x1024x128xi32> to vector<1xi32>
    %reduce_sum3A_5 = vector.shape_cast %reduce_sum3A_4 : vector<1xi32> to vector<1x1x1xi32>
    %reduce_sum3A_6 = vector.extract %reduce_sum3A_5[0, 0, 0] : i32 from vector<1x1x1xi32>
    %get3A_7 = arith.constant 0 : index
    %get3A_8 = arith.constant 0 : index
    %get3A_9 = vector.load %arg1[%get3A_7, %get3A_8] : memref<1024x128xf32, #tpu.memory_space<vmem>>, vector<1024x128xf32>
    %jit3A = arith.constant 0xFF800000 : f32
    %broadcast_in_dim3A = vector.broadcast %jit3A : f32 to vector<1024x128xf32>
    %select_n3A = arith.select %eq3A_2, %get3A_9, %broadcast_in_dim3A : vector<1024x128xi1>, vector<1024x128xf32>
    %swap3A = arith.constant 0 : index
    %swap3A_10 = arith.constant 0 : index
    %swap3A_11 = vector.load %arg5[%swap3A, %swap3A_10] : memref<1024x128xf32, #tpu.memory_space<vmem>>, vector<1024x128xf32>
    tpu.vector_store %arg5[%swap3A, %swap3A_10], %select_n3A {strides = array<i32>} : memref<1024x128xf32, #tpu.memory_space<vmem>>, vector<1024x128xf32>,
    %iota3A = tpu.iota {dimensions = array<i32: 0>} : vector<1024x128xi32>
    %iota3A_12 = tpu.iota {dimensions = array<i32: 1>} : vector<1024x128xi32>
    %mul3A = arith.constant 128 : i32
    %mul3A_13 = vector.broadcast %mul3A : i32 to vector<1024x128xi32>
    %mul3A_14 = arith.muli %iota3A, %mul3A_13 : vector<1024x128xi32>
    %add3A = arith.addi %mul3A_14, %iota3A_12 : vector<1024x128xi32>
    %iota3A_15 = tpu.iota {dimensions = array<i32: 1>} : vector<1x128xi32>
    %broadcast_in_dim3A_16 = arith.constant 131071 : i32
    %broadcast_in_dim3A_17 = vector.broadcast %broadcast_in_dim3A_16 : i32 to vector<1x128xi32>
    %scan3A = arith.constant 0xFF800000 : f32
    %scan3A_18 = arith.constant 0 : i32
    %scan3A_19 = arith.constant 128 : i32
    %scan3A_20 = arith.addi %scan3A_18, %scan3A_19 : i32
    %scan3A_21 = arith.constant 1 : i32
    %scan3A_22 = scf.for %scan3A_43 = %scan3A_18 to %scan3A_20 step %scan3A_21 iter_args(%scan3A_44 = %broadcast_in_dim3A_17) -> (vector<1x128xi32>)  : i32 {
      %get3A_45 = arith.constant 0 : index
      %get3A_46 = arith.constant 0 : index
      %get3A_47 = vector.load %arg5[%get3A_45, %get3A_46] : memref<1024x128xf32, #tpu.memory_space<vmem>>, vector<1024x128xf32>
      %reduce_max3A = vector.shape_cast %get3A_47 : vector<1024x128xf32> to vector<1x1024x128xf32>
      %reduce_max3A_48 = arith.constant dense<0xFF800000> : vector<1xf32>
      %reduce_max3A_49 = vector.multi_reduction <maximumf>, %reduce_max3A, %reduce_max3A_48 [1, 2] : vector<1x1024x128xf32> to vector<1xf32>
      %reduce_max3A_50 = vector.shape_cast %reduce_max3A_49 : vector<1xf32> to vector<1x1x1xf32>
      %reduce_max3A_51 = vector.extract %reduce_max3A_50[0, 0, 0] : f32 from vector<1x1x1xf32>
      %eq3A_52 = vector.broadcast %reduce_max3A_51 : f32 to vector<1024x128xf32>
      %eq3A_53 = arith.cmpf oeq, %get3A_47, %eq3A_52 : vector<1024x128xf32>
      %jit3A_54 = arith.constant 131072 : i32
      %broadcast_in_dim3A_55 = vector.broadcast %jit3A_54 : i32 to vector<1024x128xi32>
      %select_n3A_56 = arith.select %eq3A_53, %add3A, %broadcast_in_dim3A_55 : vector<1024x128xi1>, vector<1024x128xi32>
      %reduce_min3A = vector.shape_cast %select_n3A_56 : vector<1024x128xi32> to vector<1x1024x128xi32>
      %reduce_min3A_57 = arith.constant dense<2147483647> : vector<1xi32>
      %reduce_min3A_58 = vector.multi_reduction <minsi>, %reduce_min3A, %reduce_min3A_57 [1, 2] : vector<1x1024x128xi32> to vector<1xi32>
      %reduce_min3A_59 = vector.shape_cast %reduce_min3A_58 : vector<1xi32> to vector<1x1x1xi32>
      %reduce_min3A_60 = vector.extract %reduce_min3A_59[0, 0, 0] : i32 from vector<1x1x1xi32>
      %eq3A_61 = vector.broadcast %reduce_min3A_60 : i32 to vector<1024x128xi32>
      %eq3A_62 = arith.cmpi eq, %add3A, %eq3A_61 : vector<1024x128xi32>
      %broadcast_in_dim3A_63 = vector.broadcast %scan3A : f32 to vector<1024x128xf32>
      %select_n3A_64 = arith.select %eq3A_62, %broadcast_in_dim3A_63, %get3A_47 : vector<1024x128xi1>, vector<1024x128xf32>
      %swap3A_65 = arith.constant 0 : index
      %swap3A_66 = arith.constant 0 : index
      %swap3A_67 = vector.load %arg5[%swap3A_65, %swap3A_66] : memref<1024x128xf32, #tpu.memory_space<vmem>>, vector<1024x128xf32>
      tpu.vector_store %arg5[%swap3A_65, %swap3A_66], %select_n3A_64 {strides = array<i32>} : memref<1024x128xf32, #tpu.memory_space<vmem>>, vector<1024x128xf32>,
      %eq3A_68 = vector.broadcast %scan3A_43 : i32 to vector<1x128xi32>
      %eq3A_69 = arith.cmpi eq, %iota3A_15, %eq3A_68 : vector<1x128xi32>
      %broadcast_in_dim3A_70 = vector.broadcast %reduce_min3A_60 : i32 to vector<1x128xi32>
      %select_n3A_71 = arith.select %eq3A_69, %broadcast_in_dim3A_70, %scan3A_44 : vector<1x128xi1>, vector<1x128xi32>
      scf.yield %select_n3A_71 : vector<1x128xi32>
    }
    %scan3A_23 = arith.constant 128 : i32
    %lt3A = vector.broadcast %reduce_sum3A_6 : i32 to vector<1x128xi32>
    %lt3A_24 = arith.cmpi slt, %iota3A_15, %lt3A : vector<1x128xi32>
    %min3A = arith.constant 131071 : i32
    %min3A_25 = vector.broadcast %min3A : i32 to vector<1x128xi32>
    %min3A_26 = arith.minsi %scan3A_22, %min3A_25 : vector<1x128xi32>
    %jit3A_27 = arith.constant 131071 : i32
    %broadcast_in_dim3A_28 = vector.broadcast %jit3A_27 : i32 to vector<1x128xi32>
    %select_n3A_29 = arith.select %lt3A_24, %min3A_26, %broadcast_in_dim3A_28 : vector<1x128xi1>, vector<1x128xi32>
    %swap3A_30 = arith.constant 0 : index
    %swap3A_31 = arith.constant 0 : index
    %swap3A_32 = arith.constant 0 : index
    %swap3A_33 = vector.load %arg3[%swap3A_30, %swap3A_31, %swap3A_32] : memref<1x1x128xi32, #tpu.memory_space<vmem>>, vector<1x1x128xi32>
    %swap3A_34 = vector.shape_cast %swap3A_33 : vector<1x1x128xi32> to vector<1x128xi32>
    %swap3A_35 = vector.shape_cast %select_n3A_29 : vector<1x128xi32> to vector<1x1x128xi32>
    tpu.vector_store %arg3[%swap3A_30, %swap3A_31, %swap3A_32], %swap3A_35 {strides = array<i32>} : memref<1x1x128xi32, #tpu.memory_space<vmem>>, vector<1x1x128xi32>,
    %convert_element_type3A_36 = arith.extui %lt3A_24 : vector<1x128xi1> to vector<1x128xi32>
    %swap3A_37 = arith.constant 0 : index
    %swap3A_38 = arith.constant 0 : index
    %swap3A_39 = arith.constant 0 : index
    %swap3A_40 = vector.load %arg4[%swap3A_37, %swap3A_38, %swap3A_39] : memref<1x1x128xi32, #tpu.memory_space<vmem>>, vector<1x1x128xi32>
    %swap3A_41 = vector.shape_cast %swap3A_40 : vector<1x1x128xi32> to vector<1x128xi32>
    %swap3A_42 = vector.shape_cast %convert_element_type3A_36 : vector<1x128xi32> to vector<1x1x128xi32>
    tpu.vector_store %arg4[%swap3A_37, %swap3A_38, %swap3A_39], %swap3A_42 {strides = array<i32>} : memref<1x1x128xi32, #tpu.memory_space<vmem>>, vector<1x1x128xi32>,
    return
  }
  func.func @transform_0(%arg0: i32) -> (i32, i32) {
    %c0_i32 = arith.constant 0 : i32
    %c0_i32_0 = arith.constant 0 : i32
    %c0_i32_1 = arith.constant 0 : i32
    return %c0_i32, %c0_i32_0 : i32, i32
  }
  func.func @transform_1(%arg0: i32) -> (i32, i32) {
    %c0_i32 = arith.constant 0 : i32
    %c0_i32_0 = arith.constant 0 : i32
    %c0_i32_1 = arith.constant 0 : i32
    return %c0_i32, %c0_i32_0 : i32, i32
  }
  func.func @transform_2(%arg0: i32) -> (i32, i32, i32) {
    %c0_i32 = arith.constant 0 : i32
    %c0_i32_0 = arith.constant 0 : i32
    %c0_i32_1 = arith.constant 0 : i32
    return %arg0, %c0_i32, %c0_i32_0 : i32, i32, i32
  }
  func.func @transform_3(%arg0: i32) -> (i32, i32, i32) {
    %c0_i32 = arith.constant 0 : i32
    %c0_i32_0 = arith.constant 0 : i32
    %c0_i32_1 = arith.constant 0 : i32
    return %arg0, %c0_i32, %c0_i32_0 : i32, i32, i32
  }
}

module attributes {stable_mosaic.version = 14 : i64} {
  func.func @_tokens_body(%arg0: memref<2048x128xf32, #tpu.memory_space<vmem>>, %arg1: memref<2048x1xf32, #tpu.memory_space<vmem>>, %arg2: memref<1x4xf32, #tpu.memory_space<vmem>>, %arg3: memref<1x4xf32, #tpu.memory_space<vmem>>, %arg4: memref<4x64xf32, #tpu.memory_space<vmem>>, %arg5: memref<1x64xf32, #tpu.memory_space<vmem>>, %arg6: memref<64x64xf32, #tpu.memory_space<vmem>>, %arg7: memref<1x64xf32, #tpu.memory_space<vmem>>, %arg8: memref<64x128xf32, #tpu.memory_space<vmem>>, %arg9: memref<64x128xf32, #tpu.memory_space<vmem>>, %arg10: memref<1x128xf32, #tpu.memory_space<vmem>>, %arg11: memref<128x128xf32, #tpu.memory_space<vmem>>, %arg12: memref<1x128xf32, #tpu.memory_space<vmem>>, %arg13: memref<2048x128xf32, #tpu.memory_space<vmem>>, %arg14: memref<2048x4xf32, #tpu.memory_space<vmem>>) attributes {dimension_semantics = [], scalar_prefetch = 0 : i64, scratch_operands = 0 : i64, tpu.core_type = #tpu.core_type<tc>} {
    %get3A = arith.constant 0 : index
    %get3A_0 = arith.constant 0 : index
    %get3A_1 = vector.load %arg0[%get3A, %get3A_0] : memref<2048x128xf32, #tpu.memory_space<vmem>>, vector<2048x64xf32>
    %get3A_2 = arith.constant 0 : index
    %get3A_3 = arith.constant 64 : index
    %get3A_4 = vector.load %arg0[%get3A_2, %get3A_3] : memref<2048x128xf32, #tpu.memory_space<vmem>>, vector<2048x4xf32>
    %reduce_sum3A = arith.constant dense<0.000000e+00> : vector<2048xf32>
    %reduce_sum3A_5 = vector.multi_reduction <add>, %get3A_4, %reduce_sum3A [1] : vector<2048x4xf32> to vector<2048xf32>
    %broadcast_in_dim3A = vector.shape_cast %reduce_sum3A_5 : vector<2048xf32> to vector<2048x1xf32>
    %div3A = arith.constant 4.000000e+00 : f32
    %div3A_6 = vector.broadcast %div3A : f32 to vector<2048x1xf32>
    %div3A_7 = arith.divf %broadcast_in_dim3A, %div3A_6 : vector<2048x1xf32>
    %sub3A = vector.broadcast %div3A_7 : vector<2048x1xf32> to vector<2048x4xf32>
    %sub3A_8 = arith.subf %get3A_4, %sub3A : vector<2048x4xf32>
    %integer_pow3A = arith.mulf %sub3A_8, %sub3A_8 : vector<2048x4xf32>
    %reduce_sum3A_9 = arith.constant dense<0.000000e+00> : vector<2048xf32>
    %reduce_sum3A_10 = vector.multi_reduction <add>, %integer_pow3A, %reduce_sum3A_9 [1] : vector<2048x4xf32> to vector<2048xf32>
    %broadcast_in_dim3A_11 = vector.shape_cast %reduce_sum3A_10 : vector<2048xf32> to vector<2048x1xf32>
    %div3A_12 = arith.constant 4.000000e+00 : f32
    %div3A_13 = vector.broadcast %div3A_12 : f32 to vector<2048x1xf32>
    %div3A_14 = arith.divf %broadcast_in_dim3A_11, %div3A_13 : vector<2048x1xf32>
    %sub3A_15 = vector.broadcast %div3A_7 : vector<2048x1xf32> to vector<2048x4xf32>
    %sub3A_16 = arith.subf %get3A_4, %sub3A_15 : vector<2048x4xf32>
    %add3A = arith.constant 9.99999974E-6 : f32
    %add3A_17 = vector.broadcast %add3A : f32 to vector<2048x1xf32>
    %add3A_18 = arith.addf %div3A_14, %add3A_17 : vector<2048x1xf32>
    %rsqrt3A = math.rsqrt %add3A_18 : vector<2048x1xf32>
    %mul3A = vector.broadcast %rsqrt3A : vector<2048x1xf32> to vector<2048x4xf32>
    %mul3A_19 = arith.mulf %sub3A_16, %mul3A : vector<2048x4xf32>
    %get3A_20 = arith.constant 0 : index
    %get3A_21 = arith.constant 0 : index
    %get3A_22 = vector.load %arg2[%get3A_20, %get3A_21] : memref<1x4xf32, #tpu.memory_space<vmem>>, vector<1x4xf32>
    %mul3A_23 = vector.broadcast %get3A_22 : vector<1x4xf32> to vector<2048x4xf32>
    %mul3A_24 = arith.mulf %mul3A_19, %mul3A_23 : vector<2048x4xf32>
    %get3A_25 = arith.constant 0 : index
    %get3A_26 = arith.constant 0 : index
    %get3A_27 = vector.load %arg3[%get3A_25, %get3A_26] : memref<1x4xf32, #tpu.memory_space<vmem>>, vector<1x4xf32>
    %add3A_28 = vector.broadcast %get3A_27 : vector<1x4xf32> to vector<2048x4xf32>
    %add3A_29 = arith.addf %mul3A_24, %add3A_28 : vector<2048x4xf32>
    %get3A_30 = arith.constant 0 : index
    %get3A_31 = arith.constant 0 : index
    %get3A_32 = vector.load %arg4[%get3A_30, %get3A_31] : memref<4x64xf32, #tpu.memory_space<vmem>>, vector<4x64xf32>
    %convert_element_type3A = arith.truncf %add3A_29 : vector<2048x4xf32> to vector<2048x4xbf16>
    %convert_element_type3A_33 = arith.truncf %get3A_32 : vector<4x64xf32> to vector<4x64xbf16>
    %dot_general3A = arith.constant dense<0.000000e+00> : vector<2048x64xf32>
    %dot_general3A_34 = tpu.matmul %convert_element_type3A, %convert_element_type3A_33, %dot_general3A {dimension_numbers = #tpu.dot_dimension_numbers<[1], [0], [0], [1], [0, 0, 1, 1], [], []>, transpose_lhs_hint = false} : vector<2048x4xbf16>, vector<4x64xbf16>, vector<2048x64xf32> -> vector<2048x64xf32>
    %get3A_35 = arith.constant 0 : index
    %get3A_36 = arith.constant 0 : index
    %get3A_37 = vector.load %arg5[%get3A_35, %get3A_36] : memref<1x64xf32, #tpu.memory_space<vmem>>, vector<1x64xf32>
    %add3A_38 = vector.broadcast %get3A_37 : vector<1x64xf32> to vector<2048x64xf32>
    %add3A_39 = arith.addf %dot_general3A_34, %add3A_38 : vector<2048x64xf32>
    %max3A = arith.constant 0.000000e+00 : f32
    %max3A_40 = vector.broadcast %max3A : f32 to vector<2048x64xf32>
    %max3A_41 = arith.maximumf %add3A_39, %max3A_40 : vector<2048x64xf32>
    %get3A_42 = arith.constant 0 : index
    %get3A_43 = arith.constant 0 : index
    %get3A_44 = vector.load %arg6[%get3A_42, %get3A_43] : memref<64x64xf32, #tpu.memory_space<vmem>>, vector<64x64xf32>
    %convert_element_type3A_45 = arith.truncf %max3A_41 : vector<2048x64xf32> to vector<2048x64xbf16>
    %convert_element_type3A_46 = arith.truncf %get3A_44 : vector<64x64xf32> to vector<64x64xbf16>
    %dot_general3A_47 = arith.constant dense<0.000000e+00> : vector<2048x64xf32>
    %dot_general3A_48 = tpu.matmul %convert_element_type3A_45, %convert_element_type3A_46, %dot_general3A_47 {dimension_numbers = #tpu.dot_dimension_numbers<[1], [0], [0], [1], [0, 0, 1, 1], [], []>, transpose_lhs_hint = false} : vector<2048x64xbf16>, vector<64x64xbf16>, vector<2048x64xf32> -> vector<2048x64xf32>
    %get3A_49 = arith.constant 0 : index
    %get3A_50 = arith.constant 0 : index
    %get3A_51 = vector.load %arg7[%get3A_49, %get3A_50] : memref<1x64xf32, #tpu.memory_space<vmem>>, vector<1x64xf32>
    %add3A_52 = vector.broadcast %get3A_51 : vector<1x64xf32> to vector<2048x64xf32>
    %add3A_53 = arith.addf %dot_general3A_48, %add3A_52 : vector<2048x64xf32>
    %max3A_54 = arith.constant 0.000000e+00 : f32
    %max3A_55 = vector.broadcast %max3A_54 : f32 to vector<2048x64xf32>
    %max3A_56 = arith.maximumf %add3A_53, %max3A_55 : vector<2048x64xf32>
    %get3A_57 = arith.constant 0 : index
    %get3A_58 = arith.constant 0 : index
    %get3A_59 = vector.load %arg8[%get3A_57, %get3A_58] : memref<64x128xf32, #tpu.memory_space<vmem>>, vector<64x128xf32>
    %convert_element_type3A_60 = arith.truncf %get3A_1 : vector<2048x64xf32> to vector<2048x64xbf16>
    %convert_element_type3A_61 = arith.truncf %get3A_59 : vector<64x128xf32> to vector<64x128xbf16>
    %dot_general3A_62 = arith.constant dense<0.000000e+00> : vector<2048x128xf32>
    %dot_general3A_63 = tpu.matmul %convert_element_type3A_60, %convert_element_type3A_61, %dot_general3A_62 {dimension_numbers = #tpu.dot_dimension_numbers<[1], [0], [0], [1], [0, 0, 1, 1], [], []>, transpose_lhs_hint = false} : vector<2048x64xbf16>, vector<64x128xbf16>, vector<2048x128xf32> -> vector<2048x128xf32>
    %get3A_64 = arith.constant 0 : index
    %get3A_65 = arith.constant 0 : index
    %get3A_66 = vector.load %arg9[%get3A_64, %get3A_65] : memref<64x128xf32, #tpu.memory_space<vmem>>, vector<64x128xf32>
    %convert_element_type3A_67 = arith.truncf %max3A_56 : vector<2048x64xf32> to vector<2048x64xbf16>
    %convert_element_type3A_68 = arith.truncf %get3A_66 : vector<64x128xf32> to vector<64x128xbf16>
    %dot_general3A_69 = arith.constant dense<0.000000e+00> : vector<2048x128xf32>
    %dot_general3A_70 = tpu.matmul %convert_element_type3A_67, %convert_element_type3A_68, %dot_general3A_69 {dimension_numbers = #tpu.dot_dimension_numbers<[1], [0], [0], [1], [0, 0, 1, 1], [], []>, transpose_lhs_hint = false} : vector<2048x64xbf16>, vector<64x128xbf16>, vector<2048x128xf32> -> vector<2048x128xf32>
    %add3A_71 = arith.addf %dot_general3A_63, %dot_general3A_70 : vector<2048x128xf32>
    %get3A_72 = arith.constant 0 : index
    %get3A_73 = arith.constant 0 : index
    %get3A_74 = vector.load %arg10[%get3A_72, %get3A_73] : memref<1x128xf32, #tpu.memory_space<vmem>>, vector<1x128xf32>
    %add3A_75 = vector.broadcast %get3A_74 : vector<1x128xf32> to vector<2048x128xf32>
    %add3A_76 = arith.addf %add3A_71, %add3A_75 : vector<2048x128xf32>
    %max3A_77 = arith.constant 0.000000e+00 : f32
    %max3A_78 = vector.broadcast %max3A_77 : f32 to vector<2048x128xf32>
    %max3A_79 = arith.maximumf %add3A_76, %max3A_78 : vector<2048x128xf32>
    %get3A_80 = arith.constant 0 : index
    %get3A_81 = arith.constant 0 : index
    %get3A_82 = vector.load %arg11[%get3A_80, %get3A_81] : memref<128x128xf32, #tpu.memory_space<vmem>>, vector<128x128xf32>
    %convert_element_type3A_83 = arith.truncf %max3A_79 : vector<2048x128xf32> to vector<2048x128xbf16>
    %convert_element_type3A_84 = arith.truncf %get3A_82 : vector<128x128xf32> to vector<128x128xbf16>
    %dot_general3A_85 = arith.constant dense<0.000000e+00> : vector<2048x128xf32>
    %dot_general3A_86 = tpu.matmul %convert_element_type3A_83, %convert_element_type3A_84, %dot_general3A_85 {dimension_numbers = #tpu.dot_dimension_numbers<[1], [0], [0], [1], [0, 0, 1, 1], [], []>, transpose_lhs_hint = false} : vector<2048x128xbf16>, vector<128x128xbf16>, vector<2048x128xf32> -> vector<2048x128xf32>
    %get3A_87 = arith.constant 0 : index
    %get3A_88 = arith.constant 0 : index
    %get3A_89 = vector.load %arg12[%get3A_87, %get3A_88] : memref<1x128xf32, #tpu.memory_space<vmem>>, vector<1x128xf32>
    %add3A_90 = vector.broadcast %get3A_89 : vector<1x128xf32> to vector<2048x128xf32>
    %add3A_91 = arith.addf %dot_general3A_86, %add3A_90 : vector<2048x128xf32>
    %get3A_92 = arith.constant 0 : index
    %get3A_93 = arith.constant 0 : index
    %get3A_94 = vector.load %arg1[%get3A_92, %get3A_93] : memref<2048x1xf32, #tpu.memory_space<vmem>>, vector<2048x1xf32>
    %mul3A_95 = vector.broadcast %get3A_94 : vector<2048x1xf32> to vector<2048x128xf32>
    %mul3A_96 = arith.mulf %add3A_91, %mul3A_95 : vector<2048x128xf32>
    %swap3A = arith.constant 0 : index
    %swap3A_97 = arith.constant 0 : index
    %swap3A_98 = vector.load %arg13[%swap3A, %swap3A_97] : memref<2048x128xf32, #tpu.memory_space<vmem>>, vector<2048x128xf32>
    tpu.vector_store %arg13[%swap3A, %swap3A_97], %mul3A_96 {strides = array<i32>} : memref<2048x128xf32, #tpu.memory_space<vmem>>, vector<2048x128xf32>,
    %mul3A_99 = vector.broadcast %get3A_94 : vector<2048x1xf32> to vector<2048x4xf32>
    %mul3A_100 = arith.mulf %get3A_4, %mul3A_99 : vector<2048x4xf32>
    %swap3A_101 = arith.constant 0 : index
    %swap3A_102 = arith.constant 0 : index
    %swap3A_103 = vector.load %arg14[%swap3A_101, %swap3A_102] : memref<2048x4xf32, #tpu.memory_space<vmem>>, vector<2048x4xf32>
    tpu.vector_store %arg14[%swap3A_101, %swap3A_102], %mul3A_100 {strides = array<i32>} : memref<2048x4xf32, #tpu.memory_space<vmem>>, vector<2048x4xf32>,
    return
  }
}

</mosaic_0001>

<sc_bundles>
// kernel: kernel.6.cloned.1.call-start
scs
__scs_entry_jumppad:
0x0: {  	(pc) =	sbr.rel $0x88, $3  }
0x1: {  	(tag) =	ssettag $0x0;
	lr =	simm.s32 $0x1  }
0x2: {  	[smem:$0x3F8F] =	sst lr;
	_ =	strace $0xD0000000  }
0x3: {  	_ = 	snop  }
0x4: {  	_ = 	snop  }
0x5: {  	_ = 	snop  }
0x6: {  	_ = 	snop  }
0x7: {  	_ = 	snop  }
__scs_overlays_trampoline_lowered:
0x8: {  	[smem:$0x3F9E] =	sst s0  }
0x9: {  	[smem:$0x3F9F] =	sst s1  }
0xa: {  	[smem:$0x3FA0] =	sst s2  }
0xb: {  	[smem:$0x3FA1] =	sst s3  }
0xc: {  	[smem:$0x3FA2] =	sst s4  }
0xd: {  	[smem:$0x3FA3] =	sst s5  }
0xe: {  	[smem:$0x3FA4] =	sst s6  }
0xf: {  	[smem:$0x3FA5] =	sst s7  }
0x10: {  	[smem:$0x3FA6] =	sst s8  }
0x11: {  	[smem:$0x3FA7] =	sst s9;
	s0 =	simm.s32 @!p0 $0x0  }
0x12: {  	s1 =	sld [smem:$0x3F8D];
	s0 =	simm.s32 @p0 $0x1  }
0x13: {  	[smem:$0x3FA8] =	sst s0;
	s0 =	simm.s32 @!p1 $0x0  }
0x14: {  	s2 =	sld [smem:$0x3F8C];
	s0 =	simm.s32 @p1 $0x1  }
0x15: {  	[smem:$0x3FA9] =	sst s0;
	s0 =	simm.s32 @!p2 $0x0  }
0x16: {  	s3 =	sld [smem:$0x3FDB];
	s0 =	simm.s32 @p2 $0x1  }
0x17: {  	s4 =	simm.s32 $0x1BF5;
	[smem:$0x3FAB] =	sst s0  }
0x18: {  	s0 =	sld [smem:$0x3F8E];
	_ =	swait.ge [sflag:s4], $0x0  }
0x19: {  	s7 =	sld [smem:$0x3F8F]  }
0x1a: {  	s8 =	sadd.s32 $0xFFFFE003, lr  }
0x1b: {  	s9 =	sadd.s32 $0xFFFFFEF7, lr;
	s5 =	simm.s32 $0xFFFFFFFF;
	p2 =	slt.u32 s8, $0xFFFFF086  }
0x1c: {  	p1 =	slt.u32 s9, $0xF7A;
	s5 =	simm.s32 @!p2 $0x0  }
0x1d: {  	s5 =	simm.s32 @p1 $0x1;
	p0 =	seq.s32 s7, s2  }
0x1e: {  	s7 =	smul.u32 @!p0 $0xF7A, s2;
	p2 =	seq.s32 @!p0 s5, $0x0  }
0x1f: {  	s9 =	smul.u32 $0xF7A, s1;
	s8 =	simm.s32 @!p0 $0x1BF5;
	p2 =	por !p2, p0  }
0x20: {  	[sflag:s8] =	ssyncset.s32 @!p0 $0xFFFFF086;
	s6 =	sadd.s32 @!p0 s3, s7;
	s7 =	simm.s32 @!p0 $0x108  }
0x21: {  	s3 =	sadd.s32 s3, s9;
	s6 =	sadd.s32 @!p0 $0x88, s6;
	s7 =	simm.s32 @p2 $0x1082  }
0x22: {  	[simem:s7], [sflag:s8] =	dma.local @!p0 [hbm:s6], $0xF7A  }
0x23: {  	s9 =	sor.u32 $0xD0000000, s2;
	s6 =	simm.s32 $0x108;
	_ =	swait.ge @!p0 [sflag:s8], $0x0  }
0x24: {  	s3 =	sadd.s32 $0x88, s3;
	s6 =	simm.s32 @!p1 $0x1082;
	[sflag:s4] =	ssyncset.s32 $0xFFFFF086  }
0x25: {  	[simem:s6], [sflag:s4] =	dma.local [hbm:s3], $0xF7A  }
0x26: {  	[smem:$0x3F8F] =	sst s1;
	(tag) =	ssettag s2;
	_ =	strace s9  }
0x27: {  	s1 =	sld [smem:$0x3F9F]  }
0x28: {  	s2 =	sld [smem:$0x3FA0]  }
0x29: {  	s4 =	sld [smem:$0x3FA2]  }
0x2a: {  	p0 =	seq.s32 s5, $0x0;
	s5 =	sld [smem:$0x3FA3]  }
0x2b: {  	s6 =	sld [smem:$0x3FA4]  }
0x2c: {  	s7 =	sld [smem:$0x3FA5]  }
0x2d: {  	s3 =	simm.s32 $0x108;
	s8 =	sld [smem:$0x3FA6]  }
0x2e: {  	s3 =	simm.s32 @!p0 $0x1082;
	s9 =	sld [smem:$0x3FA7]  }
0x2f: {  	lr =	sadd.s32 s0, s3;
	s0 =	sld [smem:$0x3F9E]  }
0x30: {  	s3 =	sld [smem:$0x3FA1]  }
0x31: {  	[smem:$0x3FAA] =	sst s10  }
0x32: {  	s10 =	sld [smem:$0x3FA8];
	_ =	sdelay $0x3  }
0x33: {  	p0 =	seq.s32 s10, $0x1;
	s10 =	sld [smem:$0x3FAA];
	_ =	sdelay $0x3  }
0x34: {  	[smem:$0x3FAA] =	sst s10  }
0x35: {  	s10 =	sld [smem:$0x3FA9];
	_ =	sdelay $0x3  }
0x36: {  	p1 =	seq.s32 s10, $0x1;
	s10 =	sld [smem:$0x3FAA];
	_ =	sdelay $0x3  }
0x37: {  	[smem:$0x3FAA] =	sst s10  }
0x38: {  	s10 =	sld [smem:$0x3FAB]  }
0x39: {  	_ = 	snop;
	(pc) =	sbr.ind lr, $3  }
0x3a: {  	_ = 	snop  }
0x3b: {  	_ = 	snop  }
0x3c: {  	p2 =	seq.s32 s10, $0x1;
	s10 =	sld [smem:$0x3FAA]  }
0x3d: {  	_ =	shalt  }
0x3e: {  	_ =	shalt  }
0x3f: {  	_ =	shalt  }
0x40: {  	_ =	shalt  }
0x41: {  	_ =	shalt  }
0x42: {  	_ =	shalt  }
0x43: {  	_ =	shalt  }
0x44: {  	_ =	shalt  }
0x45: {  	_ =	shalt  }
0x46: {  	_ =	shalt  }
0x47: {  	_ =	shalt  }
0x48: {  	_ =	shalt  }
0x49: {  	_ =	shalt  }
0x4a: {  	_ =	shalt  }
0x4b: {  	_ =	shalt  }
0x4c: {  	_ =	shalt  }
0x4d: {  	_ =	shalt  }
0x4e: {  	_ =	shalt  }
0x4f: {  	_ =	shalt  }
0x50: {  	_ =	shalt  }
0x51: {  	_ =	shalt  }
0x52: {  	_ =	shalt  }
0x53: {  	_ =	shalt  }
0x54: {  	_ =	shalt  }
0x55: {  	_ =	shalt  }
0x56: {  	_ =	shalt  }
0x57: {  	_ =	shalt  }
0x58: {  	_ =	shalt  }
0x59: {  	_ =	shalt  }
0x5a: {  	_ =	shalt  }
0x5b: {  	_ =	shalt  }
0x5c: {  	_ =	shalt  }
0x5d: {  	_ =	shalt  }
0x5e: {  	_ =	shalt  }
0x5f: {  	_ =	shalt  }
0x60: {  	_ =	shalt  }
0x61: {  	_ =	shalt  }
0x62: {  	_ =	shalt  }
0x63: {  	_ =	shalt  }
0x64: {  	_ =	shalt  }
0x65: {  	_ =	shalt  }
0x66: {  	_ =	shalt  }
0x67: {  	_ =	shalt  }
0x68: {  	_ =	shalt  }
0x69: {  	_ =	shalt  }
0x6a: {  	_ =	shalt  }
0x6b: {  	_ =	shalt  }
0x6c: {  	_ =	shalt  }
0x6d: {  	_ =	shalt  }
0x6e: {  	_ =	shalt  }
0x6f: {  	_ =	shalt  }
0x70: {  	_ =	shalt  }
0x71: {  	_ =	shalt  }
0x72: {  	_ =	shalt  }
0x73: {  	_ =	shalt  }
0x74: {  	_ =	shalt  }
0x75: {  	_ =	shalt  }
0x76: {  	_ =	shalt  }
0x77: {  	_ =	shalt  }
0x78: {  	_ =	shalt  }
0x79: {  	_ =	shalt  }
0x7a: {  	_ =	shalt  }
0x7b: {  	_ =	shalt  }
0x7c: {  	_ =	shalt  }
0x7d: {  	_ =	shalt  }
0x7e: {  	_ =	shalt  }
0x7f: {  	_ =	shalt  }
0x80: {  	_ =	shalt  }
0x81: {  	_ =	shalt  }
0x82: {  	_ =	shalt  }
0x83: {  	_ =	shalt  }
0x84: {  	_ =	shalt  }
0x85: {  	_ =	shalt  }
0x86: {  	_ =	shalt  }
0x87: {  	_ =	shalt  }
.Lfunc_end0:
.L_simem_size_0:
called_computation_lowered:
.L_overlay_start_0:
0x88: {  	s2 =	sld [smem:$0x3FD9]  }
0x89: {  	s3 =	sld [smem:$0x3FFE];
	_ =	sdelay $0x1  }
0x8a: {  	s1 =	srdreg.scid  }
0x8b: {  	s0 =	sand.u32 $0x1, s1  }
0x8c: {  	s14 =	sshll.u32 s0, $0xA;
	s2 =	sadd.s32 s3, s2  }
0x8d: {  	s2 =	sadd.s32 s2, s14  }
0x8e: {  	[smem:$0x3FB6] =	sst s2  }
0x8f: {  	_ = 	snop  }
0x90: {  	s2 =	sld [smem:$0x3FD0];
	_ =	sdelay $0x2  }
0x91: {  	s15 =	simm.s32 $0xA;
	s4 =	simm.s32 $0x10  }
0x92: {  	[smem:s4], [sflag:s15] =	dma.local [hbm:s2], $0x1  }
0x93: {  	_ =	swait.eq [sflag:s15], $0x1  }
0x94: {  	[sflag:s15] =	ssyncset.done $0x0  }
0x95: {  	s16 =	sld [smem:$0x10];
	[sflag:s15] =	ssyncadd.s32 $0xFFFFFFFF  }
0x96: {  	s17 =	sld [smem:$0x11];
	(tm) =	ssettm $0x1  }
0x97: {  	s18 =	sld [smem:$0x3FFB];
	_ =	sdelay $0x3  }
0x98: {  	_ =	strace s18  }
0x99: {  	s4 =	sld [smem:$0x3FFC];
	_ =	sdelay $0x3  }
0x9a: {  	_ =	strace s4  }
0x9b: {  	s4 =	sld [smem:$0x3FFD];
	_ =	sdelay $0x3  }
0x9c: {  	_ =	strace s4  }
0x9d: {  	_ =	strace $0x8FFFFFFF  }
0x9e: {  	s19 =	sld [smem:$0x3FDB];
	_ =	sdelay $0x1  }
0x9f: {  	s5 =	simm.s32 $_scs_section_size  }
0xa0: {  	s6 =	simm.s32 $_size__tile_overlayer_lowered;
	s7 =	simm.s32 $_tile_overlayer_lowered  }
0xa1: {  	s22 =	simm.s32 $0x1BFF;
	s21 =	sshll.u32 s7, $0x1;
	s4 =	sadd.s32 s5, s19  }
0xa2: {  	s8 =	simm.s32 $0x0;
	s20 =	sshll.u32 s6, $0x1;
	s6 =	sadd.s32 s21, s4  }
0xa3: {  	[timem:s8], [sflag:s22] =	dma.local [hbm:s6], s20  }
0xa4: {  	_ =	swait.ge [sflag:s22], s20  }
0xa5: {  	s5 =	ssub.s32 $0x0, s20;
	[sflag:s22] =	ssyncset.done $0x0  }
0xa6: {  	[sflag:s22] =	ssyncadd.s32 s5;
	_ =	sdelay $0x1  }
0xa7: {  	s23 =	simm.s32 $0x1B8B  }
0xa8: {  	_ =	swait.ge [sflag:s23], $0x1  }
0xa9: {  	[sflag:s23] =	ssyncset.done $0x0  }
0xaa: {  	s25 =	simm.s32 $0x1B8E;
	s24 =	sld [smem:$0x3FFE];
	[sflag:s23] =	ssyncadd.s32 $0xFFFFFFFF  }
0xab: {  	s26 =	simm.s32 $execute0_lowered;
	[smem:$0x3FD2] =	sst s25  }
0xac: {  	s6 =	sshll.u32 s26, $0x1;
	_ =	strace $0x80000046;
	[dreg:$0x1] =	wrdreg $0xFFFFFFFF  }
0xad: {  	s28 =	simm.s32 $_size_execute0_lowered;
	s4 =	sadd.s32 s4, s6;
	[dreg:$0x0] =	wrdreg $0x0  }
0xae: {  	s6 =	sshll.u32 s28, $0x1;
	[dreg:$0x2] =	wrdreg s4  }
0xaf: {  	[dreg:$0x3] =	wrdreg s6  }
0xb0: {  	[dreg:$0x4] =	wrdreg $0xC0  }
0xb1: {  	_ =	task [dreg:s8], $0x5FFFF  }
0xb2: {  	[dreg:$0x1] =	wrdreg $0xFFFFFFFF  }
0xb3: {  	[dreg:$0x0] =	wrdreg $0x60  }
0xb4: {  	[dreg:$0x2] =	wrdreg s24  }
0xb5: {  	[dreg:$0x3] =	wrdreg s17  }
0xb6: {  	[dreg:$0x4] =	wrdreg s16  }
0xb7: {  	[dreg:$0x5] =	wrdreg $0x9  }
0xb8: {  	_ =	task.clear_ibuf [dreg:s8], $0x6FFFF;
	_ =	strace $0x90000046  }
0xb9: {  	s29 =	simm.s32 $0x9;
	_ =	strace $0x80000048  }
0xba: {  	_ =	swait.ge [sflag:s29], $0x1  }
0xbb: {  	[sflag:s29] =	ssyncadd.s32 $0xFFFFFFFF  }
0xbc: {  	_ =	strace $0x90000048  }
0xbd: {  	_ =	sfence  }
0xbe: {  	s30 =	sld [smem:$0x0];
	_ =	sdelay $0x2  }
0xbf: {  	s31 =	sshll.u32 s1, $0xD;
	s1 =	sshrl.u32 s1, $0x2  }
0xc0: {  	s3 =	sand.u32 $0x4000, s31;
	s1 =	sadd.s32 s1, s30  }
0xc1: {  	s0 =	sor.u32 s3, s0;
	s1 =	sshll.u32 s1, $0x11  }
0xc2: {  	s0 =	sor.u32 s1, s0  }
0xc3: {  	s0 =	sadd.s32 $0x8F2B, s0  }
0xc4: {  	[sflag:s0] =	ssyncadd.remote.s32 $0x1  }
0xc5: {  	_ =	sfence.sel $0xFFFF  }
0xc6: {  	[dreg:$0x0] =	wrdreg $0xFFFFFFFF;
	(pc) =	sbr.abs _section_cstart, $3  }
0xc7: {  	[dreg:$0x1] =	wrdreg $0xFFFFFFFF  }
0xc8: {  	_ =	task.clear_ibuf [dreg:s8], $0x2FFFF;
	_ =	strace $0x9FFFFFFF  }
0xc9: {  	(tm) =	ssettm $0x7FFFFFFF  }
tec
execute0_lowered:
.L_overlay_start_1:
0x0: {  	(tag) =	ssettag $0x1  }
0x1: {  	s5 =	rddreg [dreg:$0x0]  }
0x2: {  	s1 =	srdreg.scid;
	s3 =	rddreg [dreg:$0x1]  }
0x3: {  	s0 =	stileid.u32;
	s9 =	rddreg [dreg:$0x2];
	s6 =	sand.u32 $0x1, s1  }
0x4: {  	s2 =	simm.s32 $0x0;
	s4 =	sshll.u32 s0, $0x7;
	s7 =	sshll.u32 s6, $0x6  }
0x5: {  	s8 =	simm.s32 $0x1;
	[smem:$0x7FF] =	sst s2;
	s10 =	sor.u32 s7, s4  }
0x6: {  	s1 =	rddreg [dreg:$0x3];
	_ =	strace $0x80000047;
	s4 =	sshrl.u32 s10, $0x3  }
0x7: {  	s11 =	ssub.s32 $0x2, s6;
	s4 =	sadd.s32 s3, s4;
	s3 =	simm.s32 $0x2  }
0x8: {  	[tilespmem:s2], [sflag:$0x2] =	stream.linear.gather [hbm4b:s4+s2], $0x40, $0x38;
	[tilespmem:$0x2080] =	vst v63  }
0x9: {  	s5 =	sadd.s32 $0x802600, s5;
	s12 =	sshrl.u32 s11, $0x1;
	_ =	swait.ge [sflag:s3], $0x40  }
0xa: {  	s6 =	simm.s32 $0x40;
	s11 =	ssub.s32 s11, s12;
	[sflag:s3] =	ssyncset.done $0x0  }
0xb: {  	s7 =	simm.s32 $0x80;
	s31 =	smax.u32 s11, $0x1;
	[sflag:s3] =	ssyncadd.s32 $0xFFFFFFC0  }
0xc: {  	[tilespmem:s7], [sflag:$0x1] =	stream.indirect.gather [hbm4b:s5+s6], $0x80, s2, s6, $0xb8;
	[tilespmem:$0x2080] =	vst v63  }
0xd: {  	p0 =	sne.s32 s31, $0x1;
	_ =	swait.ge [sflag:s8], $0x2000  }
.Ltmp0:
0xe: {  	s10 =	sshll.u32 s10, $0x4;
	[sflag:s8] =	ssyncset.done $0x0;
	(pc) =	sbr.rel @!p0 .LBB2_2-.Ltmp0, $4  }
0xf: {  	s9 =	sadd.s32 s9, s10;
	[sflag:s8] =	ssyncadd.s32 $0xFFFFE000  }
0x10: {  	[hbm4b:s9+s2] =	stream.linear.scatter [tilespmem:s7], [sflag:$0x2], $0x2000, $0x38;
	[tilespmem:$0x2080] =	vst v63  }
0x11: {  	_ =	swait.ge [sflag:s3], $0x2000  }
0x12: {  	s10 =	sadd.s32 $0xFFFFFFFF, s31;
	[sflag:s3] =	ssyncset.done $0x0  }
.LBB2_1:
0x13: {  	p0 =	sne.s32 s10, $0x1;
	s10 =	sadd.s32 $0xFFFFFFFF, s10;
	[sflag:s3] =	ssyncadd.s32 $0xFFFFE000  }
0x14: {  	[tilespmem:s2], [sflag:$0x2] =	stream.linear.gather [hbm4b:s4+s2], $0x40, $0x38;
	[tilespmem:$0x2080] =	vst v63  }
0x15: {  	_ =	swait.ge [sflag:s3], $0x40  }
0x16: {  	[sflag:s3] =	ssyncset.done $0x0  }
0x17: {  	[sflag:s3] =	ssyncadd.s32 $0xFFFFFFC0  }
0x18: {  	[tilespmem:s7], [sflag:$0x1] =	stream.indirect.gather [hbm4b:s5+s6], $0x80, s2, s6, $0xb8;
	[tilespmem:$0x2080] =	vst v63  }
0x19: {  	_ =	swait.ge [sflag:s8], $0x2000  }
.Ltmp1:
0x1a: {  	[sflag:s8] =	ssyncset.done $0x0;
	(pc) =	sbr.rel @p0 .LBB2_1-.Ltmp1, $4  }
0x1b: {  	[sflag:s8] =	ssyncadd.s32 $0xFFFFE000  }
0x1c: {  	[hbm4b:s9+s2] =	stream.linear.scatter [tilespmem:s7], [sflag:$0x2], $0x2000, $0x38;
	[tilespmem:$0x2080] =	vst v63  }
0x1d: {  	_ =	swait.ge [sflag:s3], $0x2000  }
0x1e: {  	[sflag:s3] =	ssyncset.done $0x0  }
.LBB2_2:
0x1f: {  	[sflag:s3] =	ssyncadd.s32 $0xFFFFE000  }
0x20: {  	_ =	sfence.sel $0x180000  }
0x21: {  	[bflag:$0x0] =	sbarrier.arrive $0xFFFF  }
0x22: {  	p0 =	sne.s32 s0, $0x0;
	_ =	strace $0x90000047  }
0x23: {  	s0 =	sadd.s32 @!p0 $0x100000, s1;
	[bflag:$0x2] =	sbarrier.arrive $0xFFFF  }
0x24: {  	[sflag:s0] =	ssyncadd.tile.s32 @!p0 $0x1;
	_ =	shalt  }
.Lfunc_end2:
_tile_overlayer_lowered:
.L_overlay_start_2:
0x25: {  	(tag) =	ssettag $0x2  }
0x26: {  	s0 =	rddreg [dreg:$0x0];
	s2 =	stileid.u32  }
0x27: {  	s1 =	rddreg [dreg:$0x1];
	p0 =	sne.s32 s2, $0x0  }
0x28: {  	s3 =	rddreg [dreg:$0x2];
	[bflag:$0x3] =	sbarrier.arrive $0xFFFF;
	s2 =	simm.s32 @!p0 $0x1C02  }
0x29: {  	[timem:s3], [sflag:s2] =	dma.local @!p0 [hbm:s0], s1  }
0x2a: {  	s0 =	simm.s32 @!p0 $0x2  }
0x2b: {  	_ =	swait.ge @!p0 [sflag:s0], s1  }
0x2c: {  	s1 =	ssub.s32 @!p0 $0x0, s1;
	[sflag:s0] =	ssyncset.done @!p0 $0x0  }
0x2d: {  	[sflag:s0] =	ssyncadd.s32 @!p0 s1  }
0x2e: {  	[bflag:$0x3] =	sbarrier.arrive $0xFFFF  }
0x2f: {  	_ =	shalt  }

</sc_bundles>
